<compile_context>
chip_gen: v7x
topology: tpu7x:2x2x1
jax: 0.10.2.dev20260603
libtpu: 0.0.44.dev20260713+nightly
codegen_flags: <defaults>
</compile_context>

<pallas_src>
import functools

import jax
import jax.numpy as jnp
import numpy as np
from jax import lax
from jax.experimental import pallas as pl
from jax.experimental.pallas import tpu as pltpu
from jax.experimental.pallas import tpu_sc as plsc

_K = 8
_N = 64
_BSZ, _WINDOW, _ENSEMBLE = 8, 2048, 64
_ROWS = _BSZ * _WINDOW
_L = 16
_NC, _NS = 2, 16
_NW = _NC * _NS
_RPW = _ROWS // _NW
_CHUNK = 128
_NCHUNK = _RPW // _CHUNK
_NGRP = _CHUNK // _L
_CELEM = _CHUNK * _N
_NEG = -1e30


def _rotl32(x, d):
    return ((x << np.uint32(d)) | (x >> np.uint32(32 - d))).astype(np.uint32)


def _threefry2x32_np(k0, k1, x0, x1):
    rot = ((13, 15, 26, 6), (17, 29, 16, 24))
    ks = (np.uint32(k0), np.uint32(k1),
          np.uint32(np.uint32(k0) ^ np.uint32(k1) ^ np.uint32(0x1BD11BDA)))
    x0 = (x0 + ks[0]).astype(np.uint32)
    x1 = (x1 + ks[1]).astype(np.uint32)
    for r in range(5):
        for d in rot[r % 2]:
            x0 = (x0 + x1).astype(np.uint32)
            x1 = x0 ^ _rotl32(x1, d)
        x0 = (x0 + ks[(r + 1) % 3]).astype(np.uint32)
        x1 = (x1 + ks[(r + 2) % 3] + np.uint32(r + 1)).astype(np.uint32)
    return x0, x1


def _uniform_noise_np():
    size = _ROWS * _N
    idx = np.arange(size, dtype=np.uint64)
    c_hi = (idx >> np.uint64(32)).astype(np.uint32)
    c_lo = (idx & np.uint64(0xFFFFFFFF)).astype(np.uint32)
    x0, x1 = _threefry2x32_np(np.uint32(0), np.uint32(42), c_hi, c_lo)
    bits = x0 ^ x1
    float_bits = (bits >> np.uint32(9)) | np.uint32(0x3F800000)
    floats = float_bits.view(np.float32) - np.float32(1.0)
    mn, mx = np.float32(1e-9), np.float32(1.0)
    return np.maximum(mn, (floats * (mx - mn) + mn).astype(np.float32))


_UNIFORM = _uniform_noise_np()


def _sc_body(x_hbm, g_hbm, mask_hbm, marg_hbm,
             xv, gv, maskv, margv, xT, pertT, wT, Fv):
    cid = lax.axis_index("c")
    sid = lax.axis_index("s")
    wid = sid * _NC + cid
    base = wid * _RPW

    def do_group(grp, carry_g):
        ridx64 = (lax.iota(jnp.int32, _L) + grp * _L) * _N

        def pre_body(i, carry):
            mx, t = carry
            ii = ridx64 + i
            xi = plsc.load_gather(xv, [ii])
            gi = plsc.load_gather(gv, [ii])
            xT[pl.ds(i * _L, _L)] = xi
            p = xi + gi
            pertT[pl.ds(i * _L, _L)] = p
            mx = jnp.maximum(mx, xi)
            t = list(t)
            for j in range(_K):
                hi = jnp.maximum(t[j], p)
                p = jnp.minimum(t[j], p)
                t[j] = hi
            return mx, tuple(t)

        neg = jnp.full((_L,), jnp.float32(_NEG), dtype=jnp.float32)
        mx, tops = lax.fori_loop(0, _N, pre_body, (neg, (neg,) * _K))
        thr = tops[_K - 1]

        def fwd_body(i, E):
            xi = xT[pl.ds(i * _L, _L)]
            wi = jnp.exp(xi - mx)
            wT[pl.ds(i * _L, _L)] = wi
            for j in range(1, _K):
                Fv[pl.ds((i * (_K - 1) + j - 1) * _L, _L)] = E[j - 1]
            newE = list(E)
            for j in range(_K - 1, 0, -1):
                newE[j] = E[j] + E[j - 1] * wi
            newE[0] = E[0] + wi
            return tuple(newE)

        zero = jnp.zeros((_L,), dtype=jnp.float32)
        E = lax.fori_loop(0, _N, fwd_body, (zero,) * _K)
        invZ = 1.0 / E[_K - 1]

        def bwd_body(t, C):
            i = _N - 1 - t
            wi = wT[pl.ds(i * _L, _L)]
            e = C[0]
            for j in range(1, _K):
                e = e + Fv[pl.ds((i * (_K - 1) + j - 1) * _L, _L)] * C[j]
            p = wi * e * invZ
            ii = ridx64 + i
            plsc.store_scatter(margv, [ii], p)
            pe = pertT[pl.ds(i * _L, _L)]
            mk = jnp.where(pe >= thr, jnp.float32(1.0), jnp.float32(0.0))
            plsc.store_scatter(maskv, [ii], mk)
            newC = list(C)
            for m in range(_K - 2, -1, -1):
                newC[m] = C[m] + C[m + 1] * wi
            return tuple(newC)

        one = jnp.ones((_L,), dtype=jnp.float32)
        lax.fori_loop(0, _N, bwd_body, (zero,) * (_K - 1) + (one,))
        return carry_g

    def do_chunk(c, carry_c):
        e0 = (base + c * _CHUNK) * _N
        pltpu.sync_copy(x_hbm.at[pl.ds(e0, _CELEM)], xv)
        pltpu.sync_copy(g_hbm.at[pl.ds(e0, _CELEM)], gv)
        lax.fori_loop(0, _NGRP, do_group, 0)
        pltpu.sync_copy(maskv, mask_hbm.at[pl.ds(e0, _CELEM)])
        pltpu.sync_copy(margv, marg_hbm.at[pl.ds(e0, _CELEM)])
        return carry_c

    lax.fori_loop(0, _NCHUNK, do_chunk, 0)


@functools.partial(
    pl.kernel,
    out_type=(jax.ShapeDtypeStruct((_ROWS * _N,), jnp.float32),
              jax.ShapeDtypeStruct((_ROWS * _N,), jnp.float32)),
    mesh=plsc.VectorSubcoreMesh(core_axis_name="c", subcore_axis_name="s",
                                num_cores=_NC, num_subcores=_NS),
    scratch_types=[
        pltpu.VMEM((_CELEM,), jnp.float32),
        pltpu.VMEM((_CELEM,), jnp.float32),
        pltpu.VMEM((_CELEM,), jnp.float32),
        pltpu.VMEM((_CELEM,), jnp.float32),
        pltpu.VMEM((_N * _L,), jnp.float32),
        pltpu.VMEM((_N * _L,), jnp.float32),
        pltpu.VMEM((_N * _L,), jnp.float32),
        pltpu.VMEM((_N * (_K - 1) * _L,), jnp.float32),
    ],
    compiler_params=pltpu.CompilerParams(needs_layout_passes=False),
)
def _sc_kernel(x_hbm, g_hbm, mask_hbm, marg_hbm, *scratch):
    _sc_body(x_hbm, g_hbm, mask_hbm, marg_hbm, *scratch)


def kernel(scores):
    flat = scores.reshape(_ROWS * _N)
    u = lax.optimization_barrier(jnp.asarray(_UNIFORM))
    gumbel = -jnp.log(-jnp.log(u))
    mask, marg = _sc_kernel(flat, gumbel)
    return (mask.reshape(_BSZ, _WINDOW, _ENSEMBLE),
            marg.reshape(_BSZ, _WINDOW, _ENSEMBLE))

# --- scband reference (transcript-rebuilt; emitter-appended) ---
"""Pipeline reference for scband-edge-simplebatched-19791209300206 (READ-ONLY COPY).

The authoritative reference and input builder live on the scoring server;
editing this copy changes nothing except your own understanding.
"""

import math
import jax, jax.numpy as jnp
import numpy as np

K = 8
LARGE_NUMBER = 1e10
NEG = -1e30
BSZ, WINDOW, ENSEMBLE = 8, 2048, 64


def setup_inputs(seed: int = 0) -> dict:
    key = jax.random.key(seed)
    scores = jax.random.normal(key, (BSZ, WINDOW, ENSEMBLE), dtype=jnp.float32)
    return {"scores": scores}


def _log_esp_scan(logw, k):
    # logw: [rows, N] log-weights. Returns F: [N+1, rows, k+1] where
    # F[i, r, j] = log e_j(first i weights of row r) (elementary symmetric polys).
    rows, N = logw.shape
    init = jnp.full((rows, k + 1), NEG, dtype=logw.dtype).at[:, 0].set(0.0)

    def step(E, a):
        upd = jnp.logaddexp(E[:, 1:], E[:, :-1] + a[:, None])
        newE = jnp.concatenate([E[:, :1], upd], axis=1)
        return newE, newE

    _, Fs = jax.lax.scan(step, init, logw.T)
    return jnp.concatenate([init[None], Fs], axis=0)


def _log_pr(logw, k):
    # Exact k-subset (conditional Poisson) inclusion marginals, as in SIMPLE's Layer.log_pr.
    # P(i in S) = w_i * e_{k-1}(w \ i) / e_k(w), via forward/backward ESP DP in log space.
    F = _log_esp_scan(logw, k)                 # prefix ESPs, [N+1, rows, k+1]
    Brev = _log_esp_scan(logw[:, ::-1], k)     # ESPs of reversed prefixes
    Bfull = Brev[::-1]                         # Bfull[i] = ESPs of suffix starting at i
    Fj = F[:-1, :, :k]                         # e_j(prefix < i), j = 0..k-1
    Bj = Bfull[1:, :, :k][..., ::-1]           # e_{k-1-j}(suffix > i)
    log_e = jax.scipy.special.logsumexp(Fj + Bj, axis=-1)  # log e_{k-1}(w \ i), [N, rows]
    log_Z = F[-1, :, k]                        # log e_k(w), [rows]
    return logw.T + log_e - log_Z[None, :]     # [N, rows], matches layer.log_pr layout


def _forward(scores, k, times_sampled):
    bsz, window, ensemble = scores.shape
    flat = scores.reshape(bsz * window, ensemble)
    target_size = ensemble
    local_k = min(k, ensemble)
    Npad = 2 ** math.ceil(math.log2(target_size))
    if Npad > ensemble:
        pad = jnp.full((flat.shape[0], Npad - ensemble), -LARGE_NUMBER, dtype=flat.dtype)
        flat = jnp.concatenate([flat, pad], axis=1)
    # logits_activation is None -> passthrough
    log_m = _log_pr(flat, local_k)
    marginals = jnp.exp(log_m).T               # permute(1,0) -> [rows, Npad]
    # layer.sample: draw k-subset samples (Gumbel top-k perturbation)
    gkey = jax.random.key(42)
    u = jax.random.uniform(gkey, (times_sampled,) + flat.shape, minval=1e-9, maxval=1.0, dtype=flat.dtype)
    gumbel = -jnp.log(-jnp.log(u))
    pert = flat[None] + gumbel
    _, idx = jax.lax.top_k(pert, local_k)      # [T, rows, k]
    rows = flat.shape[0]
    hard = jnp.zeros_like(pert).at[
        jnp.arange(times_sampled)[:, None, None],
        jnp.arange(rows)[None, :, None],
        idx].set(1.0)
    # straight-through: (samples - marginals).detach() + marginals
    samples = jax.lax.stop_gradient(hard - marginals[None]) + marginals[None]
    samples = samples[..., :target_size]
    marginals = marginals[:, :target_size]
    new_mask = samples.reshape(times_sampled, bsz, window, ensemble)[0]  # squeeze(0), T=1
    new_marginals = marginals.reshape(bsz, window, ensemble)
    return new_mask, new_marginals


def reference(scores):
    return _forward(scores, K, 1)

if __name__ == "__main__":
    import jax
    _d = setup_inputs()
    print(jax.jit(kernel)(*tuple(_d.values())))

</pallas_src>

<mosaic_0001>
#map = affine_map<(d0, d1) -> (0)>
module attributes {stable_mosaic.version = 14 : i64} {
  func.func @_sc_kernel(%arg0: i32, %arg1: i32, %arg2: memref<1048576xf32, #tpu.memory_space<hbm>>, %arg3: memref<1048576xf32, #tpu.memory_space<hbm>>, %arg4: memref<1048576xf32, #tpu.memory_space<hbm>>, %arg5: memref<1048576xf32, #tpu.memory_space<hbm>>, %arg6: memref<8192xf32, #tpu.memory_space<vmem>>, %arg7: memref<8192xf32, #tpu.memory_space<vmem>>, %arg8: memref<8192xf32, #tpu.memory_space<vmem>>, %arg9: memref<8192xf32, #tpu.memory_space<vmem>>, %arg10: memref<1024xf32, #tpu.memory_space<vmem>>, %arg11: memref<1024xf32, #tpu.memory_space<vmem>>, %arg12: memref<1024xf32, #tpu.memory_space<vmem>>, %arg13: memref<7168xf32, #tpu.memory_space<vmem>>) attributes {dimension_semantics = [#tpu.dimension_semantics<core_parallel>, #tpu.dimension_semantics<subcore_parallel>], iteration_bounds = array<i64: 2, 16>, scalar_prefetch = 0 : i64, scratch_operands = 8 : i64, tpu.core_type = #tpu.core_type<sc_vector_subcore>, window_params = [{transform_indices = #map}, {transform_indices = #map}, {transform_indices = #map}, {transform_indices = #map}]} {
    %mul3A = arith.constant 2 : i32
    %mul3A_0 = arith.muli %arg1, %mul3A : i32
    %add3A = arith.addi %mul3A_0, %arg0 : i32
    %mul3A_1 = arith.constant 512 : i32
    %mul3A_2 = arith.muli %add3A, %mul3A_1 : i32
    %scan3A = arith.constant 0 : i32
    %scan3A_3 = arith.constant 0 : i32
    %scan3A_4 = arith.constant 4 : i32
    %scan3A_5 = arith.addi %scan3A_3, %scan3A_4 : i32
    %scan3A_6 = arith.constant 1 : i32
    scf.for %scan3A_8 = %scan3A_3 to %scan3A_5 step %scan3A_6  : i32 {
      %mul3A_9 = arith.constant 128 : i32
      %mul3A_10 = arith.muli %scan3A_8, %mul3A_9 : i32
      %add3A_11 = arith.addi %mul3A_2, %mul3A_10 : i32
      %mul3A_12 = arith.constant 64 : i32
      %mul3A_13 = arith.muli %add3A_11, %mul3A_12 : i32
      "tpu.region"() ({
        %run_scoped3A = tpu.sem_alloc : memref<!tpu.dma_semaphore, #tpu.memory_space<semaphore_mem>>
        %dma_start3A = tpu.memref_slice %arg2[%mul3A_13] : memref<1048576xf32, #tpu.memory_space<hbm>> -> memref<8192xf32, #tpu.memory_space<hbm>>
        %dma_start3A_20 = tpu.memref_slice %arg2[%mul3A_13] : memref<1048576xf32, #tpu.memory_space<hbm>> -> memref<8192xf32, #tpu.memory_space<hbm>>
        tpu.enqueue_dma source(%dma_start3A_20 : memref<8192xf32, #tpu.memory_space<hbm>>) target(%arg6 : memref<8192xf32, #tpu.memory_space<vmem>>) target_semaphore(%run_scoped3A : memref<!tpu.dma_semaphore, #tpu.memory_space<semaphore_mem>>)
        %dma_wait3A = tpu.memref_slice %arg2[%mul3A_13] : memref<1048576xf32, #tpu.memory_space<hbm>> -> memref<8192xf32, #tpu.memory_space<hbm>>
        %dma_wait3A_21 = tpu.memref_slice %arg2[%mul3A_13] : memref<1048576xf32, #tpu.memory_space<hbm>> -> memref<8192xf32, #tpu.memory_space<hbm>>
        tpu.wait_dma2 semaphore(%run_scoped3A : memref<!tpu.dma_semaphore, #tpu.memory_space<semaphore_mem>>) src(%dma_wait3A_21 : memref<8192xf32, #tpu.memory_space<hbm>>) dst(%arg6 : memref<8192xf32, #tpu.memory_space<vmem>>)
        tpu.yield
      }) : () -> ()
      "tpu.region"() ({
        %run_scoped3A = tpu.sem_alloc : memref<!tpu.dma_semaphore, #tpu.memory_space<semaphore_mem>>
        %dma_start3A = tpu.memref_slice %arg3[%mul3A_13] : memref<1048576xf32, #tpu.memory_space<hbm>> -> memref<8192xf32, #tpu.memory_space<hbm>>
        %dma_start3A_20 = tpu.memref_slice %arg3[%mul3A_13] : memref<1048576xf32, #tpu.memory_space<hbm>> -> memref<8192xf32, #tpu.memory_space<hbm>>
        tpu.enqueue_dma source(%dma_start3A_20 : memref<8192xf32, #tpu.memory_space<hbm>>) target(%arg7 : memref<8192xf32, #tpu.memory_space<vmem>>) target_semaphore(%run_scoped3A : memref<!tpu.dma_semaphore, #tpu.memory_space<semaphore_mem>>)
        %dma_wait3A = tpu.memref_slice %arg3[%mul3A_13] : memref<1048576xf32, #tpu.memory_space<hbm>> -> memref<8192xf32, #tpu.memory_space<hbm>>
        %dma_wait3A_21 = tpu.memref_slice %arg3[%mul3A_13] : memref<1048576xf32, #tpu.memory_space<hbm>> -> memref<8192xf32, #tpu.memory_space<hbm>>
        tpu.wait_dma2 semaphore(%run_scoped3A : memref<!tpu.dma_semaphore, #tpu.memory_space<semaphore_mem>>) src(%dma_wait3A_21 : memref<8192xf32, #tpu.memory_space<hbm>>) dst(%arg7 : memref<8192xf32, #tpu.memory_space<vmem>>)
        tpu.yield
      }) : () -> ()
      %scan3A_14 = arith.constant 0 : i32
      %scan3A_15 = arith.constant 0 : i32
      %scan3A_16 = arith.constant 8 : i32
      %scan3A_17 = arith.addi %scan3A_15, %scan3A_16 : i32
      %scan3A_18 = arith.constant 1 : i32
      scf.for %scan3A_20 = %scan3A_15 to %scan3A_17 step %scan3A_18  : i32 {
        %iota3A = tpu.iota {dimensions = array<i32: 0>} : vector<16xi32>
        %mul3A_21 = arith.constant 16 : i32
        %mul3A_22 = arith.muli %scan3A_20, %mul3A_21 : i32
        %add3A_23 = vector.broadcast %mul3A_22 : i32 to vector<16xi32>
        %add3A_24 = arith.addi %iota3A, %add3A_23 : vector<16xi32>
        %mul3A_25 = arith.constant 64 : i32
        %mul3A_26 = vector.broadcast %mul3A_25 : i32 to vector<16xi32>
        %mul3A_27 = arith.muli %add3A_24, %mul3A_26 : vector<16xi32>
        %broadcast_in_dim3A = arith.constant -1.000000e+30 : f32
        %broadcast_in_dim3A_28 = vector.broadcast %broadcast_in_dim3A : f32 to vector<16xf32>
        %scan3A_29 = arith.constant 0 : i32
        %scan3A_30 = arith.constant 64 : i32
        %scan3A_31 = arith.addi %scan3A_29, %scan3A_30 : i32
        %scan3A_32 = arith.constant 1 : i32
        %scan3A_33:9 = scf.for %scan3A_53 = %scan3A_29 to %scan3A_31 step %scan3A_32 iter_args(%scan3A_54 = %broadcast_in_dim3A_28, %scan3A_55 = %broadcast_in_dim3A_28, %scan3A_56 = %broadcast_in_dim3A_28, %scan3A_57 = %broadcast_in_dim3A_28, %scan3A_58 = %broadcast_in_dim3A_28, %scan3A_59 = %broadcast_in_dim3A_28, %scan3A_60 = %broadcast_in_dim3A_28, %scan3A_61 = %broadcast_in_dim3A_28, %scan3A_62 = %broadcast_in_dim3A_28) -> (vector<16xf32>, vector<16xf32>, vector<16xf32>, vector<16xf32>, vector<16xf32>, vector<16xf32>, vector<16xf32>, vector<16xf32>, vector<16xf32>)  : i32 {
          %add3A_63 = vector.broadcast %scan3A_53 : i32 to vector<16xi32>
          %add3A_64 = arith.addi %mul3A_27, %add3A_63 : vector<16xi32>
          %gather3A = tpu.vector_load_idx %arg6[%add3A_64] : memref<8192xf32, #tpu.memory_space<vmem>>[vector<16xi32>], vector<16xf32>,
          %gather3A_65 = tpu.vector_load_idx %arg7[%add3A_64] : memref<8192xf32, #tpu.memory_space<vmem>>[vector<16xi32>], vector<16xf32>,
          %mul3A_66 = arith.constant 16 : i32
          %mul3A_67 = arith.muli %scan3A_53, %mul3A_66 : i32
          %swap3A = arith.index_cast %mul3A_67 : i32 to index
          %swap3A_68 = tpu.vector_load %arg10[%swap3A] {strides = array<i32>} : memref<1024xf32, #tpu.memory_space<vmem>>, vector<16xf32>,
          tpu.vector_store %arg10[%swap3A], %gather3A {strides = array<i32>} : memref<1024xf32, #tpu.memory_space<vmem>>, vector<16xf32>,
          %add3A_69 = arith.addf %gather3A, %gather3A_65 : vector<16xf32>
          %mul3A_70 = arith.constant 16 : i32
          %mul3A_71 = arith.muli %scan3A_53, %mul3A_70 : i32
          %swap3A_72 = arith.index_cast %mul3A_71 : i32 to index
          %swap3A_73 = tpu.vector_load %arg11[%swap3A_72] {strides = array<i32>} : memref<1024xf32, #tpu.memory_space<vmem>>, vector<16xf32>,
          tpu.vector_store %arg11[%swap3A_72], %add3A_69 {strides = array<i32>} : memref<1024xf32, #tpu.memory_space<vmem>>, vector<16xf32>,
          %max3A = arith.maximumf %scan3A_54, %gather3A : vector<16xf32>
          %max3A_74 = arith.maximumf %scan3A_55, %add3A_69 : vector<16xf32>
          %min3A = arith.minimumf %scan3A_55, %add3A_69 : vector<16xf32>
          %max3A_75 = arith.maximumf %scan3A_56, %min3A : vector<16xf32>
          %min3A_76 = arith.minimumf %scan3A_56, %min3A : vector<16xf32>
          %max3A_77 = arith.maximumf %scan3A_57, %min3A_76 : vector<16xf32>
          %min3A_78 = arith.minimumf %scan3A_57, %min3A_76 : vector<16xf32>
          %max3A_79 = arith.maximumf %scan3A_58, %min3A_78 : vector<16xf32>
          %min3A_80 = arith.minimumf %scan3A_58, %min3A_78 : vector<16xf32>
          %max3A_81 = arith.maximumf %scan3A_59, %min3A_80 : vector<16xf32>
          %min3A_82 = arith.minimumf %scan3A_59, %min3A_80 : vector<16xf32>
          %max3A_83 = arith.maximumf %scan3A_60, %min3A_82 : vector<16xf32>
          %min3A_84 = arith.minimumf %scan3A_60, %min3A_82 : vector<16xf32>
          %max3A_85 = arith.maximumf %scan3A_61, %min3A_84 : vector<16xf32>
          %min3A_86 = arith.minimumf %scan3A_61, %min3A_84 : vector<16xf32>
          %max3A_87 = arith.maximumf %scan3A_62, %min3A_86 : vector<16xf32>
          %min3A_88 = arith.minimumf %scan3A_62, %min3A_86 : vector<16xf32>
          scf.yield %max3A, %max3A_74, %max3A_75, %max3A_77, %max3A_79, %max3A_81, %max3A_83, %max3A_85, %max3A_87 : vector<16xf32>, vector<16xf32>, vector<16xf32>, vector<16xf32>, vector<16xf32>, vector<16xf32>, vector<16xf32>, vector<16xf32>, vector<16xf32>
        }
        %scan3A_34 = arith.constant 64 : i32
        %broadcast_in_dim3A_35 = arith.constant 0.000000e+00 : f32
        %broadcast_in_dim3A_36 = vector.broadcast %broadcast_in_dim3A_35 : f32 to vector<16xf32>
        %scan3A_37 = arith.constant 0 : i32
        %scan3A_38 = arith.constant 64 : i32
        %scan3A_39 = arith.addi %scan3A_37, %scan3A_38 : i32
        %scan3A_40 = arith.constant 1 : i32
        %scan3A_41:8 = scf.for %scan3A_53 = %scan3A_37 to %scan3A_39 step %scan3A_40 iter_args(%scan3A_54 = %broadcast_in_dim3A_36, %scan3A_55 = %broadcast_in_dim3A_36, %scan3A_56 = %broadcast_in_dim3A_36, %scan3A_57 = %broadcast_in_dim3A_36, %scan3A_58 = %broadcast_in_dim3A_36, %scan3A_59 = %broadcast_in_dim3A_36, %scan3A_60 = %broadcast_in_dim3A_36, %scan3A_61 = %broadcast_in_dim3A_36) -> (vector<16xf32>, vector<16xf32>, vector<16xf32>, vector<16xf32>, vector<16xf32>, vector<16xf32>, vector<16xf32>, vector<16xf32>)  : i32 {
          %mul3A_62 = arith.constant 16 : i32
          %mul3A_63 = arith.muli %scan3A_53, %mul3A_62 : i32
          %get3A = arith.index_cast %mul3A_63 : i32 to index
          %get3A_64 = tpu.vector_load %arg10[%get3A] {strides = array<i32>} : memref<1024xf32, #tpu.memory_space<vmem>>, vector<16xf32>,
          %sub3A = arith.subf %get3A_64, %scan3A_33#0 : vector<16xf32>
          %exp3A = math.exp %sub3A : vector<16xf32>
          %mul3A_65 = arith.constant 16 : i32
          %mul3A_66 = arith.muli %scan3A_53, %mul3A_65 : i32
          %swap3A = arith.index_cast %mul3A_66 : i32 to index
          %swap3A_67 = tpu.vector_load %arg12[%swap3A] {strides = array<i32>} : memref<1024xf32, #tpu.memory_space<vmem>>, vector<16xf32>,
          tpu.vector_store %arg12[%swap3A], %exp3A {strides = array<i32>} : memref<1024xf32, #tpu.memory_space<vmem>>, vector<16xf32>,
          %mul3A_68 = arith.constant 7 : i32
          %mul3A_69 = arith.muli %scan3A_53, %mul3A_68 : i32
          %add3A_70 = arith.constant 1 : i32
          %add3A_71 = arith.addi %mul3A_69, %add3A_70 : i32
          %sub3A_72 = arith.constant 1 : i32
          %sub3A_73 = arith.subi %add3A_71, %sub3A_72 : i32
          %mul3A_74 = arith.constant 16 : i32
          %mul3A_75 = arith.muli %sub3A_73, %mul3A_74 : i32
          %swap3A_76 = arith.index_cast %mul3A_75 : i32 to index
          %swap3A_77 = tpu.vector_load %arg13[%swap3A_76] {strides = array<i32>} : memref<7168xf32, #tpu.memory_space<vmem>>, vector<16xf32>,
          tpu.vector_store %arg13[%swap3A_76], %scan3A_54 {strides = array<i32>} : memref<7168xf32, #tpu.memory_space<vmem>>, vector<16xf32>,
          %mul3A_78 = arith.constant 7 : i32
          %mul3A_79 = arith.muli %scan3A_53, %mul3A_78 : i32
          %add3A_80 = arith.constant 2 : i32
          %add3A_81 = arith.addi %mul3A_79, %add3A_80 : i32
          %sub3A_82 = arith.constant 1 : i32
          %sub3A_83 = arith.subi %add3A_81, %sub3A_82 : i32
          %mul3A_84 = arith.constant 16 : i32
          %mul3A_85 = arith.muli %sub3A_83, %mul3A_84 : i32
          %swap3A_86 = arith.index_cast %mul3A_85 : i32 to index
          %swap3A_87 = tpu.vector_load %arg13[%swap3A_86] {strides = array<i32>} : memref<7168xf32, #tpu.memory_space<vmem>>, vector<16xf32>,
          tpu.vector_store %arg13[%swap3A_86], %scan3A_55 {strides = array<i32>} : memref<7168xf32, #tpu.memory_space<vmem>>, vector<16xf32>,
          %mul3A_88 = arith.constant 7 : i32
          %mul3A_89 = arith.muli %scan3A_53, %mul3A_88 : i32
          %add3A_90 = arith.constant 3 : i32
          %add3A_91 = arith.addi %mul3A_89, %add3A_90 : i32
          %sub3A_92 = arith.constant 1 : i32
          %sub3A_93 = arith.subi %add3A_91, %sub3A_92 : i32
          %mul3A_94 = arith.constant 16 : i32
          %mul3A_95 = arith.muli %sub3A_93, %mul3A_94 : i32
          %swap3A_96 = arith.index_cast %mul3A_95 : i32 to index
          %swap3A_97 = tpu.vector_load %arg13[%swap3A_96] {strides = array<i32>} : memref<7168xf32, #tpu.memory_space<vmem>>, vector<16xf32>,
          tpu.vector_store %arg13[%swap3A_96], %scan3A_56 {strides = array<i32>} : memref<7168xf32, #tpu.memory_space<vmem>>, vector<16xf32>,
          %mul3A_98 = arith.constant 7 : i32
          %mul3A_99 = arith.muli %scan3A_53, %mul3A_98 : i32
          %add3A_100 = arith.constant 4 : i32
          %add3A_101 = arith.addi %mul3A_99, %add3A_100 : i32
          %sub3A_102 = arith.constant 1 : i32
          %sub3A_103 = arith.subi %add3A_101, %sub3A_102 : i32
          %mul3A_104 = arith.constant 16 : i32
          %mul3A_105 = arith.muli %sub3A_103, %mul3A_104 : i32
          %swap3A_106 = arith.index_cast %mul3A_105 : i32 to index
          %swap3A_107 = tpu.vector_load %arg13[%swap3A_106] {strides = array<i32>} : memref<7168xf32, #tpu.memory_space<vmem>>, vector<16xf32>,
          tpu.vector_store %arg13[%swap3A_106], %scan3A_57 {strides = array<i32>} : memref<7168xf32, #tpu.memory_space<vmem>>, vector<16xf32>,
          %mul3A_108 = arith.constant 7 : i32
          %mul3A_109 = arith.muli %scan3A_53, %mul3A_108 : i32
          %add3A_110 = arith.constant 5 : i32
          %add3A_111 = arith.addi %mul3A_109, %add3A_110 : i32
          %sub3A_112 = arith.constant 1 : i32
          %sub3A_113 = arith.subi %add3A_111, %sub3A_112 : i32
          %mul3A_114 = arith.constant 16 : i32
          %mul3A_115 = arith.muli %sub3A_113, %mul3A_114 : i32
          %swap3A_116 = arith.index_cast %mul3A_115 : i32 to index
          %swap3A_117 = tpu.vector_load %arg13[%swap3A_116] {strides = array<i32>} : memref<7168xf32, #tpu.memory_space<vmem>>, vector<16xf32>,
          tpu.vector_store %arg13[%swap3A_116], %scan3A_58 {strides = array<i32>} : memref<7168xf32, #tpu.memory_space<vmem>>, vector<16xf32>,
          %mul3A_118 = arith.constant 7 : i32
          %mul3A_119 = arith.muli %scan3A_53, %mul3A_118 : i32
          %add3A_120 = arith.constant 6 : i32
          %add3A_121 = arith.addi %mul3A_119, %add3A_120 : i32
          %sub3A_122 = arith.constant 1 : i32
          %sub3A_123 = arith.subi %add3A_121, %sub3A_122 : i32
          %mul3A_124 = arith.constant 16 : i32
          %mul3A_125 = arith.muli %sub3A_123, %mul3A_124 : i32
          %swap3A_126 = arith.index_cast %mul3A_125 : i32 to index
          %swap3A_127 = tpu.vector_load %arg13[%swap3A_126] {strides = array<i32>} : memref<7168xf32, #tpu.memory_space<vmem>>, vector<16xf32>,
          tpu.vector_store %arg13[%swap3A_126], %scan3A_59 {strides = array<i32>} : memref<7168xf32, #tpu.memory_space<vmem>>, vector<16xf32>,
          %mul3A_128 = arith.constant 7 : i32
          %mul3A_129 = arith.muli %scan3A_53, %mul3A_128 : i32
          %add3A_130 = arith.constant 7 : i32
          %add3A_131 = arith.addi %mul3A_129, %add3A_130 : i32
          %sub3A_132 = arith.constant 1 : i32
          %sub3A_133 = arith.subi %add3A_131, %sub3A_132 : i32
          %mul3A_134 = arith.constant 16 : i32
          %mul3A_135 = arith.muli %sub3A_133, %mul3A_134 : i32
          %swap3A_136 = arith.index_cast %mul3A_135 : i32 to index
          %swap3A_137 = tpu.vector_load %arg13[%swap3A_136] {strides = array<i32>} : memref<7168xf32, #tpu.memory_space<vmem>>, vector<16xf32>,
          tpu.vector_store %arg13[%swap3A_136], %scan3A_60 {strides = array<i32>} : memref<7168xf32, #tpu.memory_space<vmem>>, vector<16xf32>,
          %mul3A_138 = arith.mulf %scan3A_60, %exp3A : vector<16xf32>
          %add3A_139 = arith.addf %scan3A_61, %mul3A_138 : vector<16xf32>
          %mul3A_140 = arith.mulf %scan3A_59, %exp3A : vector<16xf32>
          %add3A_141 = arith.addf %scan3A_60, %mul3A_140 : vector<16xf32>
          %mul3A_142 = arith.mulf %scan3A_58, %exp3A : vector<16xf32>
          %add3A_143 = arith.addf %scan3A_59, %mul3A_142 : vector<16xf32>
          %mul3A_144 = arith.mulf %scan3A_57, %exp3A : vector<16xf32>
          %add3A_145 = arith.addf %scan3A_58, %mul3A_144 : vector<16xf32>
          %mul3A_146 = arith.mulf %scan3A_56, %exp3A : vector<16xf32>
          %add3A_147 = arith.addf %scan3A_57, %mul3A_146 : vector<16xf32>
          %mul3A_148 = arith.mulf %scan3A_55, %exp3A : vector<16xf32>
          %add3A_149 = arith.addf %scan3A_56, %mul3A_148 : vector<16xf32>
          %mul3A_150 = arith.mulf %scan3A_54, %exp3A : vector<16xf32>
          %add3A_151 = arith.addf %scan3A_55, %mul3A_150 : vector<16xf32>
          %add3A_152 = arith.addf %scan3A_54, %exp3A : vector<16xf32>
          scf.yield %add3A_152, %add3A_151, %add3A_149, %add3A_147, %add3A_145, %add3A_143, %add3A_141, %add3A_139 : vector<16xf32>, vector<16xf32>, vector<16xf32>, vector<16xf32>, vector<16xf32>, vector<16xf32>, vector<16xf32>, vector<16xf32>
        }
        %scan3A_42 = arith.constant 64 : i32
        %div3A = arith.constant 1.000000e+00 : f32
        %div3A_43 = vector.broadcast %div3A : f32 to vector<16xf32>
        %div3A_44 = arith.divf %div3A_43, %scan3A_41#7 : vector<16xf32>
        %broadcast_in_dim3A_45 = arith.constant 1.000000e+00 : f32
        %broadcast_in_dim3A_46 = vector.broadcast %broadcast_in_dim3A_45 : f32 to vector<16xf32>
        %scan3A_47 = arith.constant 0 : i32
        %scan3A_48 = arith.constant 64 : i32
        %scan3A_49 = arith.addi %scan3A_47, %scan3A_48 : i32
        %scan3A_50 = arith.constant 1 : i32
        %scan3A_51:7 = scf.for %scan3A_53 = %scan3A_47 to %scan3A_49 step %scan3A_50 iter_args(%scan3A_54 = %broadcast_in_dim3A_36, %scan3A_55 = %broadcast_in_dim3A_36, %scan3A_56 = %broadcast_in_dim3A_36, %scan3A_57 = %broadcast_in_dim3A_36, %scan3A_58 = %broadcast_in_dim3A_36, %scan3A_59 = %broadcast_in_dim3A_36, %scan3A_60 = %broadcast_in_dim3A_36) -> (vector<16xf32>, vector<16xf32>, vector<16xf32>, vector<16xf32>, vector<16xf32>, vector<16xf32>, vector<16xf32>)  : i32 {
          %sub3A = arith.constant 63 : i32
          %sub3A_61 = arith.subi %sub3A, %scan3A_53 : i32
          %mul3A_62 = arith.constant 16 : i32
          %mul3A_63 = arith.muli %sub3A_61, %mul3A_62 : i32
          %get3A = arith.index_cast %mul3A_63 : i32 to index
          %get3A_64 = tpu.vector_load %arg12[%get3A] {strides = array<i32>} : memref<1024xf32, #tpu.memory_space<vmem>>, vector<16xf32>,
          %mul3A_65 = arith.constant 7 : i32
          %mul3A_66 = arith.muli %sub3A_61, %mul3A_65 : i32
          %add3A_67 = arith.constant 1 : i32
          %add3A_68 = arith.addi %mul3A_66, %add3A_67 : i32
          %sub3A_69 = arith.constant 1 : i32
          %sub3A_70 = arith.subi %add3A_68, %sub3A_69 : i32
          %mul3A_71 = arith.constant 16 : i32
          %mul3A_72 = arith.muli %sub3A_70, %mul3A_71 : i32
          %get3A_73 = arith.index_cast %mul3A_72 : i32 to index
          %get3A_74 = tpu.vector_load %arg13[%get3A_73] {strides = array<i32>} : memref<7168xf32, #tpu.memory_space<vmem>>, vector<16xf32>,
          %mul3A_75 = arith.mulf %get3A_74, %scan3A_55 : vector<16xf32>
          %add3A_76 = arith.addf %scan3A_54, %mul3A_75 : vector<16xf32>
          %mul3A_77 = arith.constant 7 : i32
          %mul3A_78 = arith.muli %sub3A_61, %mul3A_77 : i32
          %add3A_79 = arith.constant 2 : i32
          %add3A_80 = arith.addi %mul3A_78, %add3A_79 : i32
          %sub3A_81 = arith.constant 1 : i32
          %sub3A_82 = arith.subi %add3A_80, %sub3A_81 : i32
          %mul3A_83 = arith.constant 16 : i32
          %mul3A_84 = arith.muli %sub3A_82, %mul3A_83 : i32
          %get3A_85 = arith.index_cast %mul3A_84 : i32 to index
          %get3A_86 = tpu.vector_load %arg13[%get3A_85] {strides = array<i32>} : memref<7168xf32, #tpu.memory_space<vmem>>, vector<16xf32>,
          %mul3A_87 = arith.mulf %get3A_86, %scan3A_56 : vector<16xf32>
          %add3A_88 = arith.addf %add3A_76, %mul3A_87 : vector<16xf32>
          %mul3A_89 = arith.constant 7 : i32
          %mul3A_90 = arith.muli %sub3A_61, %mul3A_89 : i32
          %add3A_91 = arith.constant 3 : i32
          %add3A_92 = arith.addi %mul3A_90, %add3A_91 : i32
          %sub3A_93 = arith.constant 1 : i32
          %sub3A_94 = arith.subi %add3A_92, %sub3A_93 : i32
          %mul3A_95 = arith.constant 16 : i32
          %mul3A_96 = arith.muli %sub3A_94, %mul3A_95 : i32
          %get3A_97 = arith.index_cast %mul3A_96 : i32 to index
          %get3A_98 = tpu.vector_load %arg13[%get3A_97] {strides = array<i32>} : memref<7168xf32, #tpu.memory_space<vmem>>, vector<16xf32>,
          %mul3A_99 = arith.mulf %get3A_98, %scan3A_57 : vector<16xf32>
          %add3A_100 = arith.addf %add3A_88, %mul3A_99 : vector<16xf32>
          %mul3A_101 = arith.constant 7 : i32
          %mul3A_102 = arith.muli %sub3A_61, %mul3A_101 : i32
          %add3A_103 = arith.constant 4 : i32
          %add3A_104 = arith.addi %mul3A_102, %add3A_103 : i32
          %sub3A_105 = arith.constant 1 : i32
          %sub3A_106 = arith.subi %add3A_104, %sub3A_105 : i32
          %mul3A_107 = arith.constant 16 : i32
          %mul3A_108 = arith.muli %sub3A_106, %mul3A_107 : i32
          %get3A_109 = arith.index_cast %mul3A_108 : i32 to index
          %get3A_110 = tpu.vector_load %arg13[%get3A_109] {strides = array<i32>} : memref<7168xf32, #tpu.memory_space<vmem>>, vector<16xf32>,
          %mul3A_111 = arith.mulf %get3A_110, %scan3A_58 : vector<16xf32>
          %add3A_112 = arith.addf %add3A_100, %mul3A_111 : vector<16xf32>
          %mul3A_113 = arith.constant 7 : i32
          %mul3A_114 = arith.muli %sub3A_61, %mul3A_113 : i32
          %add3A_115 = arith.constant 5 : i32
          %add3A_116 = arith.addi %mul3A_114, %add3A_115 : i32
          %sub3A_117 = arith.constant 1 : i32
          %sub3A_118 = arith.subi %add3A_116, %sub3A_117 : i32
          %mul3A_119 = arith.constant 16 : i32
          %mul3A_120 = arith.muli %sub3A_118, %mul3A_119 : i32
          %get3A_121 = arith.index_cast %mul3A_120 : i32 to index
          %get3A_122 = tpu.vector_load %arg13[%get3A_121] {strides = array<i32>} : memref<7168xf32, #tpu.memory_space<vmem>>, vector<16xf32>,
          %mul3A_123 = arith.mulf %get3A_122, %scan3A_59 : vector<16xf32>
          %add3A_124 = arith.addf %add3A_112, %mul3A_123 : vector<16xf32>
          %mul3A_125 = arith.constant 7 : i32
          %mul3A_126 = arith.muli %sub3A_61, %mul3A_125 : i32
          %add3A_127 = arith.constant 6 : i32
          %add3A_128 = arith.addi %mul3A_126, %add3A_127 : i32
          %sub3A_129 = arith.constant 1 : i32
          %sub3A_130 = arith.subi %add3A_128, %sub3A_129 : i32
          %mul3A_131 = arith.constant 16 : i32
          %mul3A_132 = arith.muli %sub3A_130, %mul3A_131 : i32
          %get3A_133 = arith.index_cast %mul3A_132 : i32 to index
          %get3A_134 = tpu.vector_load %arg13[%get3A_133] {strides = array<i32>} : memref<7168xf32, #tpu.memory_space<vmem>>, vector<16xf32>,
          %mul3A_135 = arith.mulf %get3A_134, %scan3A_60 : vector<16xf32>
          %add3A_136 = arith.addf %add3A_124, %mul3A_135 : vector<16xf32>
          %mul3A_137 = arith.constant 7 : i32
          %mul3A_138 = arith.muli %sub3A_61, %mul3A_137 : i32
          %add3A_139 = arith.constant 7 : i32
          %add3A_140 = arith.addi %mul3A_138, %add3A_139 : i32
          %sub3A_141 = arith.constant 1 : i32
          %sub3A_142 = arith.subi %add3A_140, %sub3A_141 : i32
          %mul3A_143 = arith.constant 16 : i32
          %mul3A_144 = arith.muli %sub3A_142, %mul3A_143 : i32
          %get3A_145 = arith.index_cast %mul3A_144 : i32 to index
          %get3A_146 = tpu.vector_load %arg13[%get3A_145] {strides = array<i32>} : memref<7168xf32, #tpu.memory_space<vmem>>, vector<16xf32>,
          %mul3A_147 = arith.mulf %get3A_146, %broadcast_in_dim3A_46 : vector<16xf32>
          %add3A_148 = arith.addf %add3A_136, %mul3A_147 : vector<16xf32>
          %mul3A_149 = arith.mulf %get3A_64, %add3A_148 : vector<16xf32>
          %mul3A_150 = arith.mulf %mul3A_149, %div3A_44 : vector<16xf32>
          %add3A_151 = vector.broadcast %sub3A_61 : i32 to vector<16xi32>
          %add3A_152 = arith.addi %mul3A_27, %add3A_151 : vector<16xi32>
          tpu.vector_store_idx %arg9[%add3A_152], %mul3A_150 : memref<8192xf32, #tpu.memory_space<vmem>>[vector<16xi32>], vector<16xf32>,
          %mul3A_153 = arith.constant 16 : i32
          %mul3A_154 = arith.muli %sub3A_61, %mul3A_153 : i32
          %get3A_155 = arith.index_cast %mul3A_154 : i32 to index
          %get3A_156 = tpu.vector_load %arg11[%get3A_155] {strides = array<i32>} : memref<1024xf32, #tpu.memory_space<vmem>>, vector<16xf32>,
          %ge3A = arith.cmpf oge, %get3A_156, %scan3A_33#8 : vector<16xf32>
          %jit3A = arith.constant 1.000000e+00 : f32
          %jit3A_157 = arith.constant 0.000000e+00 : f32
          %broadcast_in_dim3A_158 = vector.broadcast %jit3A : f32 to vector<16xf32>
          %broadcast_in_dim3A_159 = vector.broadcast %jit3A_157 : f32 to vector<16xf32>
          %select_n3A = arith.select %ge3A, %broadcast_in_dim3A_158, %broadcast_in_dim3A_159 : vector<16xi1>, vector<16xf32>
          tpu.vector_store_idx %arg8[%add3A_152], %select_n3A : memref<8192xf32, #tpu.memory_space<vmem>>[vector<16xi32>], vector<16xf32>,
          %mul3A_160 = arith.mulf %broadcast_in_dim3A_46, %get3A_64 : vector<16xf32>
          %add3A_161 = arith.addf %scan3A_60, %mul3A_160 : vector<16xf32>
          %mul3A_162 = arith.mulf %scan3A_60, %get3A_64 : vector<16xf32>
          %add3A_163 = arith.addf %scan3A_59, %mul3A_162 : vector<16xf32>
          %mul3A_164 = arith.mulf %scan3A_59, %get3A_64 : vector<16xf32>
          %add3A_165 = arith.addf %scan3A_58, %mul3A_164 : vector<16xf32>
          %mul3A_166 = arith.mulf %scan3A_58, %get3A_64 : vector<16xf32>
          %add3A_167 = arith.addf %scan3A_57, %mul3A_166 : vector<16xf32>
          %mul3A_168 = arith.mulf %scan3A_57, %get3A_64 : vector<16xf32>
          %add3A_169 = arith.addf %scan3A_56, %mul3A_168 : vector<16xf32>
          %mul3A_170 = arith.mulf %scan3A_56, %get3A_64 : vector<16xf32>
          %add3A_171 = arith.addf %scan3A_55, %mul3A_170 : vector<16xf32>
          %mul3A_172 = arith.mulf %scan3A_55, %get3A_64 : vector<16xf32>
          %add3A_173 = arith.addf %scan3A_54, %mul3A_172 : vector<16xf32>
          scf.yield %add3A_173, %add3A_171, %add3A_169, %add3A_167, %add3A_165, %add3A_163, %add3A_161 : vector<16xf32>, vector<16xf32>, vector<16xf32>, vector<16xf32>, vector<16xf32>, vector<16xf32>, vector<16xf32>
        }
        %scan3A_52 = arith.constant 64 : i32
      }
      %scan3A_19 = arith.constant 8 : i32
      "tpu.region"() ({
        %run_scoped3A = tpu.sem_alloc : memref<!tpu.dma_semaphore, #tpu.memory_space<semaphore_mem>>
        %dma_start3A = tpu.memref_slice %arg4[%mul3A_13] : memref<1048576xf32, #tpu.memory_space<hbm>> -> memref<8192xf32, #tpu.memory_space<hbm>>
        %dma_start3A_20 = tpu.memref_slice %arg4[%mul3A_13] : memref<1048576xf32, #tpu.memory_space<hbm>> -> memref<8192xf32, #tpu.memory_space<hbm>>
        tpu.enqueue_dma source(%arg8 : memref<8192xf32, #tpu.memory_space<vmem>>) target(%dma_start3A_20 : memref<8192xf32, #tpu.memory_space<hbm>>) target_semaphore(%run_scoped3A : memref<!tpu.dma_semaphore, #tpu.memory_space<semaphore_mem>>)
        %dma_wait3A = tpu.memref_slice %arg4[%mul3A_13] : memref<1048576xf32, #tpu.memory_space<hbm>> -> memref<8192xf32, #tpu.memory_space<hbm>>
        %dma_wait3A_21 = tpu.memref_slice %arg4[%mul3A_13] : memref<1048576xf32, #tpu.memory_space<hbm>> -> memref<8192xf32, #tpu.memory_space<hbm>>
        tpu.wait_dma2 semaphore(%run_scoped3A : memref<!tpu.dma_semaphore, #tpu.memory_space<semaphore_mem>>) src(%arg8 : memref<8192xf32, #tpu.memory_space<vmem>>) dst(%dma_wait3A_21 : memref<8192xf32, #tpu.memory_space<hbm>>)
        tpu.yield
      }) : () -> ()
      "tpu.region"() ({
        %run_scoped3A = tpu.sem_alloc : memref<!tpu.dma_semaphore, #tpu.memory_space<semaphore_mem>>
        %dma_start3A = tpu.memref_slice %arg5[%mul3A_13] : memref<1048576xf32, #tpu.memory_space<hbm>> -> memref<8192xf32, #tpu.memory_space<hbm>>
        %dma_start3A_20 = tpu.memref_slice %arg5[%mul3A_13] : memref<1048576xf32, #tpu.memory_space<hbm>> -> memref<8192xf32, #tpu.memory_space<hbm>>
        tpu.enqueue_dma source(%arg9 : memref<8192xf32, #tpu.memory_space<vmem>>) target(%dma_start3A_20 : memref<8192xf32, #tpu.memory_space<hbm>>) target_semaphore(%run_scoped3A : memref<!tpu.dma_semaphore, #tpu.memory_space<semaphore_mem>>)
        %dma_wait3A = tpu.memref_slice %arg5[%mul3A_13] : memref<1048576xf32, #tpu.memory_space<hbm>> -> memref<8192xf32, #tpu.memory_space<hbm>>
        %dma_wait3A_21 = tpu.memref_slice %arg5[%mul3A_13] : memref<1048576xf32, #tpu.memory_space<hbm>> -> memref<8192xf32, #tpu.memory_space<hbm>>
        tpu.wait_dma2 semaphore(%run_scoped3A : memref<!tpu.dma_semaphore, #tpu.memory_space<semaphore_mem>>) src(%arg9 : memref<8192xf32, #tpu.memory_space<vmem>>) dst(%dma_wait3A_21 : memref<8192xf32, #tpu.memory_space<hbm>>)
        tpu.yield
      }) : () -> ()
    }
    %scan3A_7 = arith.constant 4 : i32
    return
  }
}

</mosaic_0001>

<sc_bundles>
// kernel: kernel.3.cloned.1.call-start
scs
__scs_entry_jumppad:
0x0: {  	(pc) =	sbr.rel $0x88, $3  }
0x1: {  	(tag) =	ssettag $0x0;
	lr =	simm.s32 $0x1  }
0x2: {  	[smem:$0x3FA0] =	sst lr;
	_ =	strace $0xD0000000  }
0x3: {  	_ = 	snop  }
0x4: {  	_ = 	snop  }
0x5: {  	_ = 	snop  }
0x6: {  	_ = 	snop  }
0x7: {  	_ = 	snop  }
__scs_overlays_trampoline_lowered:
0x8: {  	[smem:$0x3FAF] =	sst s0  }
0x9: {  	[smem:$0x3FB0] =	sst s1  }
0xa: {  	[smem:$0x3FB1] =	sst s2  }
0xb: {  	[smem:$0x3FB2] =	sst s3  }
0xc: {  	[smem:$0x3FB3] =	sst s4  }
0xd: {  	[smem:$0x3FB4] =	sst s5  }
0xe: {  	[smem:$0x3FB5] =	sst s6  }
0xf: {  	[smem:$0x3FB6] =	sst s7  }
0x10: {  	[smem:$0x3FB7] =	sst s8  }
0x11: {  	[smem:$0x3FB8] =	sst s9;
	s0 =	simm.s32 @!p0 $0x0  }
0x12: {  	s1 =	sld [smem:$0x3F9E];
	s0 =	simm.s32 @p0 $0x1  }
0x13: {  	[smem:$0x3FB9] =	sst s0;
	s0 =	simm.s32 @!p1 $0x0  }
0x14: {  	s2 =	sld [smem:$0x3F9D];
	s0 =	simm.s32 @p1 $0x1  }
0x15: {  	[smem:$0x3FBA] =	sst s0;
	s0 =	simm.s32 @!p2 $0x0  }
0x16: {  	s3 =	sld [smem:$0x3FDB];
	s0 =	simm.s32 @p2 $0x1  }
0x17: {  	s4 =	simm.s32 $0x1BF5;
	[smem:$0x3FBC] =	sst s0  }
0x18: {  	s0 =	sld [smem:$0x3F9F];
	_ =	swait.ge [sflag:s4], $0x0  }
0x19: {  	s7 =	sld [smem:$0x3FA0]  }
0x1a: {  	s8 =	sadd.s32 $0xFFFFE003, lr  }
0x1b: {  	s9 =	sadd.s32 $0xFFFFFEF7, lr;
	s5 =	simm.s32 $0xFFFFFFFF;
	p2 =	slt.u32 s8, $0xFFFFF086  }
0x1c: {  	p1 =	slt.u32 s9, $0xF7A;
	s5 =	simm.s32 @!p2 $0x0  }
0x1d: {  	s5 =	simm.s32 @p1 $0x1;
	p0 =	seq.s32 s7, s2  }
0x1e: {  	s7 =	smul.u32 @!p0 $0xF7A, s2;
	p2 =	seq.s32 @!p0 s5, $0x0  }
0x1f: {  	s9 =	smul.u32 $0xF7A, s1;
	s8 =	simm.s32 @!p0 $0x1BF5;
	p2 =	por !p2, p0  }
0x20: {  	[sflag:s8] =	ssyncset.s32 @!p0 $0xFFFFF086;
	s6 =	sadd.s32 @!p0 s3, s7;
	s7 =	simm.s32 @!p0 $0x108  }
0x21: {  	s3 =	sadd.s32 s3, s9;
	s6 =	sadd.s32 @!p0 $0x88, s6;
	s7 =	simm.s32 @p2 $0x1082  }
0x22: {  	[simem:s7], [sflag:s8] =	dma.local @!p0 [hbm:s6], $0xF7A  }
0x23: {  	s9 =	sor.u32 $0xD0000000, s2;
	s6 =	simm.s32 $0x108;
	_ =	swait.ge @!p0 [sflag:s8], $0x0  }
0x24: {  	s3 =	sadd.s32 $0x88, s3;
	s6 =	simm.s32 @!p1 $0x1082;
	[sflag:s4] =	ssyncset.s32 $0xFFFFF086  }
0x25: {  	[simem:s6], [sflag:s4] =	dma.local [hbm:s3], $0xF7A  }
0x26: {  	[smem:$0x3FA0] =	sst s1;
	(tag) =	ssettag s2;
	_ =	strace s9  }
0x27: {  	s1 =	sld [smem:$0x3FB0]  }
0x28: {  	s2 =	sld [smem:$0x3FB1]  }
0x29: {  	s4 =	sld [smem:$0x3FB3]  }
0x2a: {  	p0 =	seq.s32 s5, $0x0;
	s5 =	sld [smem:$0x3FB4]  }
0x2b: {  	s6 =	sld [smem:$0x3FB5]  }
0x2c: {  	s7 =	sld [smem:$0x3FB6]  }
0x2d: {  	s3 =	simm.s32 $0x108;
	s8 =	sld [smem:$0x3FB7]  }
0x2e: {  	s3 =	simm.s32 @!p0 $0x1082;
	s9 =	sld [smem:$0x3FB8]  }
0x2f: {  	lr =	sadd.s32 s0, s3;
	s0 =	sld [smem:$0x3FAF]  }
0x30: {  	s3 =	sld [smem:$0x3FB2]  }
0x31: {  	[smem:$0x3FBB] =	sst s10  }
0x32: {  	s10 =	sld [smem:$0x3FB9];
	_ =	sdelay $0x3  }
0x33: {  	p0 =	seq.s32 s10, $0x1;
	s10 =	sld [smem:$0x3FBB];
	_ =	sdelay $0x3  }
0x34: {  	[smem:$0x3FBB] =	sst s10  }
0x35: {  	s10 =	sld [smem:$0x3FBA];
	_ =	sdelay $0x3  }
0x36: {  	p1 =	seq.s32 s10, $0x1;
	s10 =	sld [smem:$0x3FBB];
	_ =	sdelay $0x3  }
0x37: {  	[smem:$0x3FBB] =	sst s10  }
0x38: {  	s10 =	sld [smem:$0x3FBC]  }
0x39: {  	_ = 	snop;
	(pc) =	sbr.ind lr, $3  }
0x3a: {  	_ = 	snop  }
0x3b: {  	_ = 	snop  }
0x3c: {  	p2 =	seq.s32 s10, $0x1;
	s10 =	sld [smem:$0x3FBB]  }
0x3d: {  	_ =	shalt  }
0x3e: {  	_ =	shalt  }
0x3f: {  	_ =	shalt  }
0x40: {  	_ =	shalt  }
0x41: {  	_ =	shalt  }
0x42: {  	_ =	shalt  }
0x43: {  	_ =	shalt  }
0x44: {  	_ =	shalt  }
0x45: {  	_ =	shalt  }
0x46: {  	_ =	shalt  }
0x47: {  	_ =	shalt  }
0x48: {  	_ =	shalt  }
0x49: {  	_ =	shalt  }
0x4a: {  	_ =	shalt  }
0x4b: {  	_ =	shalt  }
0x4c: {  	_ =	shalt  }
0x4d: {  	_ =	shalt  }
0x4e: {  	_ =	shalt  }
0x4f: {  	_ =	shalt  }
0x50: {  	_ =	shalt  }
0x51: {  	_ =	shalt  }
0x52: {  	_ =	shalt  }
0x53: {  	_ =	shalt  }
0x54: {  	_ =	shalt  }
0x55: {  	_ =	shalt  }
0x56: {  	_ =	shalt  }
0x57: {  	_ =	shalt  }
0x58: {  	_ =	shalt  }
0x59: {  	_ =	shalt  }
0x5a: {  	_ =	shalt  }
0x5b: {  	_ =	shalt  }
0x5c: {  	_ =	shalt  }
0x5d: {  	_ =	shalt  }
0x5e: {  	_ =	shalt  }
0x5f: {  	_ =	shalt  }
0x60: {  	_ =	shalt  }
0x61: {  	_ =	shalt  }
0x62: {  	_ =	shalt  }
0x63: {  	_ =	shalt  }
0x64: {  	_ =	shalt  }
0x65: {  	_ =	shalt  }
0x66: {  	_ =	shalt  }
0x67: {  	_ =	shalt  }
0x68: {  	_ =	shalt  }
0x69: {  	_ =	shalt  }
0x6a: {  	_ =	shalt  }
0x6b: {  	_ =	shalt  }
0x6c: {  	_ =	shalt  }
0x6d: {  	_ =	shalt  }
0x6e: {  	_ =	shalt  }
0x6f: {  	_ =	shalt  }
0x70: {  	_ =	shalt  }
0x71: {  	_ =	shalt  }
0x72: {  	_ =	shalt  }
0x73: {  	_ =	shalt  }
0x74: {  	_ =	shalt  }
0x75: {  	_ =	shalt  }
0x76: {  	_ =	shalt  }
0x77: {  	_ =	shalt  }
0x78: {  	_ =	shalt  }
0x79: {  	_ =	shalt  }
0x7a: {  	_ =	shalt  }
0x7b: {  	_ =	shalt  }
0x7c: {  	_ =	shalt  }
0x7d: {  	_ =	shalt  }
0x7e: {  	_ =	shalt  }
0x7f: {  	_ =	shalt  }
0x80: {  	_ =	shalt  }
0x81: {  	_ =	shalt  }
0x82: {  	_ =	shalt  }
0x83: {  	_ =	shalt  }
0x84: {  	_ =	shalt  }
0x85: {  	_ =	shalt  }
0x86: {  	_ =	shalt  }
0x87: {  	_ =	shalt  }
.Lfunc_end0:
.L_simem_size_0:
called_computation_lowered:
.L_overlay_start_0:
0x88: {  	s2 =	sld [smem:$0x3FD9]  }
0x89: {  	s3 =	sld [smem:$0x3FFE];
	_ =	sdelay $0x1  }
0x8a: {  	s1 =	srdreg.scid  }
0x8b: {  	s0 =	sand.u32 $0x1, s1  }
0x8c: {  	s14 =	sshll.u32 s0, $0xA;
	s2 =	sadd.s32 s3, s2  }
0x8d: {  	s2 =	sadd.s32 s2, s14  }
0x8e: {  	[smem:$0x3FC7] =	sst s2  }
0x8f: {  	_ = 	snop  }
0x90: {  	s2 =	sld [smem:$0x3FD0];
	_ =	sdelay $0x2  }
0x91: {  	s15 =	simm.s32 $0xA;
	s4 =	simm.s32 $0x10  }
0x92: {  	[smem:s4], [sflag:s15] =	dma.local [hbm:s2], $0x1  }
0x93: {  	_ =	swait.eq [sflag:s15], $0x1  }
0x94: {  	[sflag:s15] =	ssyncset.done $0x0  }
0x95: {  	s16 =	sld [smem:$0x10];
	[sflag:s15] =	ssyncadd.s32 $0xFFFFFFFF  }
0x96: {  	s17 =	sld [smem:$0x11];
	(tm) =	ssettm $0x1  }
0x97: {  	s18 =	sld [smem:$0x3FFB];
	_ =	sdelay $0x3  }
0x98: {  	_ =	strace s18  }
0x99: {  	s4 =	sld [smem:$0x3FFC];
	_ =	sdelay $0x3  }
0x9a: {  	_ =	strace s4  }
0x9b: {  	s4 =	sld [smem:$0x3FFD];
	_ =	sdelay $0x3  }
0x9c: {  	_ =	strace s4  }
0x9d: {  	_ =	strace $0x8FFFFFFF  }
0x9e: {  	s19 =	sld [smem:$0x3FDB];
	_ =	sdelay $0x1  }
0x9f: {  	s5 =	simm.s32 $_scs_section_size  }
0xa0: {  	s6 =	simm.s32 $_size__tile_overlayer_lowered;
	s7 =	simm.s32 $_tile_overlayer_lowered  }
0xa1: {  	s22 =	simm.s32 $0x1BFF;
	s21 =	sshll.u32 s7, $0x1;
	s4 =	sadd.s32 s5, s19  }
0xa2: {  	s8 =	simm.s32 $0x0;
	s20 =	sshll.u32 s6, $0x1;
	s6 =	sadd.s32 s21, s4  }
0xa3: {  	[timem:s8], [sflag:s22] =	dma.local [hbm:s6], s20  }
0xa4: {  	_ =	swait.ge [sflag:s22], s20  }
0xa5: {  	s5 =	ssub.s32 $0x0, s20;
	[sflag:s22] =	ssyncset.done $0x0  }
0xa6: {  	[sflag:s22] =	ssyncadd.s32 s5;
	_ =	sdelay $0x1  }
0xa7: {  	s23 =	simm.s32 $0x1B8B  }
0xa8: {  	_ =	swait.ge [sflag:s23], $0x1  }
0xa9: {  	[sflag:s23] =	ssyncset.done $0x0  }
0xaa: {  	s25 =	simm.s32 $0x1B8E;
	s24 =	sld [smem:$0x3FFE];
	[sflag:s23] =	ssyncadd.s32 $0xFFFFFFFF  }
0xab: {  	s26 =	simm.s32 $execute0_lowered;
	[smem:$0x3FD2] =	sst s25  }
0xac: {  	s6 =	sshll.u32 s26, $0x1;
	_ =	strace $0x80000046;
	[dreg:$0x1] =	wrdreg $0xFFFFFFFF  }
0xad: {  	s28 =	simm.s32 $_size_execute0_lowered;
	s4 =	sadd.s32 s4, s6;
	[dreg:$0x0] =	wrdreg $0x0  }
0xae: {  	s6 =	sshll.u32 s28, $0x1;
	[dreg:$0x2] =	wrdreg s4  }
0xaf: {  	[dreg:$0x3] =	wrdreg s6  }
0xb0: {  	[dreg:$0x4] =	wrdreg $0xC0  }
0xb1: {  	_ =	task [dreg:s8], $0x5FFFF  }
0xb2: {  	[dreg:$0x1] =	wrdreg $0xFFFFFFFF  }
0xb3: {  	[dreg:$0x0] =	wrdreg $0x60  }
0xb4: {  	[dreg:$0x2] =	wrdreg s17  }
0xb5: {  	[dreg:$0x3] =	wrdreg s16  }
0xb6: {  	[dreg:$0x4] =	wrdreg s24  }
0xb7: {  	[dreg:$0x5] =	wrdreg $0x9  }
0xb8: {  	_ =	task.clear_ibuf [dreg:s8], $0x6FFFF;
	_ =	strace $0x90000046  }
0xb9: {  	s29 =	simm.s32 $0x9;
	_ =	strace $0x80000048  }
0xba: {  	_ =	swait.ge [sflag:s29], $0x1  }
0xbb: {  	[sflag:s29] =	ssyncadd.s32 $0xFFFFFFFF  }
0xbc: {  	_ =	strace $0x90000048  }
0xbd: {  	_ =	sfence  }
0xbe: {  	s30 =	sld [smem:$0x0];
	_ =	sdelay $0x2  }
0xbf: {  	s31 =	sshll.u32 s1, $0xD;
	s1 =	sshrl.u32 s1, $0x2  }
0xc0: {  	s3 =	sand.u32 $0x4000, s31;
	s1 =	sadd.s32 s1, s30  }
0xc1: {  	s0 =	sor.u32 s3, s0;
	s1 =	sshll.u32 s1, $0x11  }
0xc2: {  	s0 =	sor.u32 s1, s0  }
0xc3: {  	s0 =	sadd.s32 $0x8F2B, s0  }
0xc4: {  	[sflag:s0] =	ssyncadd.remote.s32 $0x1  }
0xc5: {  	_ =	sfence.sel $0xFFFF  }
0xc6: {  	[dreg:$0x0] =	wrdreg $0xFFFFFFFF;
	(pc) =	sbr.abs _section_cstart, $3  }
0xc7: {  	[dreg:$0x1] =	wrdreg $0xFFFFFFFF  }
0xc8: {  	_ =	task.clear_ibuf [dreg:s8], $0x2FFFF;
	_ =	strace $0x9FFFFFFF  }
0xc9: {  	(tm) =	ssettm $0x7FFFFFFF  }
tec
execute0_lowered:
.L_overlay_start_1:
0x0: {  	(tag) =	ssettag $0x1  }
0x1: {  	s1 =	rddreg [dreg:$0x0]  }
0x2: {  	s2 =	rddreg [dreg:$0x1]  }
0x3: {  	s6 =	rddreg [dreg:$0x2]  }
0x4: {  	s0 =	rddreg [dreg:$0x3];
	s3 =	simm.s32 $0x0;
	s4 =	srdreg.scid  }
0x5: {  	s11 =	simm.s32 $0x6000;
	s12 =	simm.s32 $0x4000;
	s13 =	simm.s32 $0x0  }
0x6: {  	[smem:$0x7FF] =	sst s3;
	s7 =	sand.u32 $0x1, s4;
	s5 =	sadd.s32 $0xC00, s6  }
0x7: {  	s4 =	stileid.u32;
	s6 =	sadd.s32 $0x20C00, s6;
	s8 =	ssub.s32 $0x2, s7  }
0x8: {  	s10 =	sshll.u32 s4, $0xD;
	s7 =	sshll.u32 s7, $0xC;
	s9 =	sshrl.u32 s8, $0x1  }
0x9: {  	v0 =	vlaneseq.u32;
	_ =	strace $0x80000047;
	s7 =	sor.u32 s7, s10;
	s8 =	ssub.s32 s8, s9  }
0xa: {  	v1 =	vimm.f32 $0.0e+00;
	v0 =	vmul.u32 $0x40, v0;
	s10 =	simm.s32 $0x2000;
	s9 =	simm.s32 $0x1;
	s8 =	smax.u32 s8, $0x1  }
.LBB2_1:
0xb: {  	s14 =	simm.s32 $0x0  }
.LBB2_2:
0xc: {  	s15 =	sshll.u32 s14, $0xA  }
0xd: {  	s15 =	sadd.s32 s7, s15  }
0xe: {  	s16 =	simm.s32 $0x0;
	s17 =	sadd.s32 s1, s15  }
0xf: {  	[tilespmem:s16], [sflag:$0x1] =	stream.linear.gather [hbm4b:s17+s16], $0x2000, $0x38;
	[tilespmem:$0xA800] =	vst v63  }
0x10: {  	_ =	swait.ge [sflag:s9], $0x2000  }
0x11: {  	[sflag:s9] =	ssyncset.done $0x0  }
0x12: {  	s31 =	sadd.s32 s2, s15;
	[sflag:s9] =	ssyncadd.s32 $0xFFFFE000  }
0x13: {  	[tilespmem:s10], [sflag:$0x1] =	stream.linear.gather [hbm4b:s31+s16], $0x2000, $0x38;
	[tilespmem:$0xA800] =	vst v63  }
0x14: {  	_ =	swait.ge [sflag:s9], $0x2000  }
0x15: {  	[sflag:s9] =	ssyncset.done $0x0  }
0x16: {  	s17 =	simm.s32 $0x0;
	[sflag:s9] =	ssyncadd.s32 $0xFFFFE000  }
.LBB2_3:
0x17: {  	s18 =	sshll.u32 s17, $0x4  }
0x18: {  	v2 =	vmov s18  }
0x19: {  	v2 =	vshll.u32 v2, $0x6  }
0x1a: {  	v2 =	vor.u32 v0, v2  }
0x1b: {  	v3 =	vor.u32 s16, v2;
	_ =	sdelay $0x4  }
0x1c: {  	v4 =	vld.idx.msk [tilespmem:v3+s10+$0x0], $0xffff  }
0x1d: {  	v6 =	vld.idx.msk [tilespmem:v3+s16+$0x0], $0xffff;
	_ =	sdelay $0x1  }
0x1e: {  	s31 =	simm.s32 $0x1  }
0x1f: {  	v12 =	vor.u32 s31, v2  }
0x20: {  	v11 =	vimm.f32 $-1.000000020e+30;
	v9 =	vimm.f32 $-1.000000020e+30  }
0x21: {  	v10 =	vimm.f32 $-1.000000020e+30;
	s18 =	simm.s32 $0x8000;
	v7 =	vadd.f32 v4, v6;
	v4 =	vimm.f32 $-1.000000020e+30  }
0x22: {  	s19 =	simm.s32 $0x8400;
	v8 =	vimm.f32 $-1.000000020e+30;
	[tilespmem:s18+$0x0] =	vst v6;
	v5 =	vmax.f32 v4, v6;
	v6 =	vimm.f32 $-1.000000020e+30  }
0x23: {  	s21 =	simm.s32 $0x2;
	s22 =	simm.s32 $0x3;
	v3 =	vmax.f32 v4, v7;
	v13 =	vmin.f32 v4, v7;
	[tilespmem:s19+$0x0] =	vst v7;
	v7 =	vimm.f32 $-1.000000020e+30  }
.LBB2_4:
0x24: {  	p0 =	sne.s32 s22, $0x3F;
	s20 =	simm.s32 $0x0;
	v14 =	vld.idx.msk [tilespmem:v12+s10+$0x0], $0xffff;
	v15 =	vmin.f32 v4, v13;
	v4 =	vmax.f32 v4, v13  }
0x25: {  	v13 =	vld.idx.msk [tilespmem:v12+s20+$0x0], $0xffff;
	v12 =	vmin.f32 v11, v15;
	v11 =	vmax.f32 v11, v15  }
0x26: {  	v15 =	vmin.f32 v9, v12;
	v9 =	vmax.f32 v9, v12  }
0x27: {  	v12 =	vmin.f32 v6, v15;
	v6 =	vmax.f32 v6, v15  }
0x28: {  	v15 =	vmin.f32 v10, v12;
	v10 =	vmax.f32 v10, v12  }
.Ltmp0:
0x29: {  	v12 =	vor.u32 s21, v2;
	s21 =	smov.u32 s22;
	v16 =	vmin.f32 v8, v15;
	v8 =	vmax.f32 v8, v15;
	(pc) =	sbr.rel @p0 .LBB2_4-.Ltmp0, $4  }
0x2a: {  	v7 =	vmax.f32 v7, v16  }
0x2b: {  	s18 =	sadd.s32 $0x10, s18;
	v14 =	vadd.f32 v14, v13;
	v5 =	vmax.f32 v5, v13  }
0x2c: {  	s19 =	sadd.s32 $0x10, s19;
	[tilespmem:s18+$0x0] =	vst v13  }
0x2d: {  	s22 =	sadd.s32 $0x1, s22;
	v13 =	vmin.f32 v3, v14;
	v3 =	vmax.f32 v3, v14;
	[tilespmem:s19+$0x0] =	vst v14  }
0x2e: {  	_ =	sdelay $0x3  }
0x2f: {  	v14 =	vld.idx.msk [tilespmem:v12+s10+$0x0], $0xffff  }
0x30: {  	v12 =	vld.idx.msk [tilespmem:v12+s20+$0x0], $0xffff;
	_ =	sdelay $0x2  }
0x31: {  	v15 =	vor.u32 s21, v2;
	_ =	sdelay $0x1  }
0x32: {  	s18 =	sadd.s32 $0x10, s18;
	v14 =	vadd.f32 v14, v12  }
0x33: {  	s19 =	sadd.s32 $0x10, s19;
	[tilespmem:s18+$0x0] =	vst v12  }
0x34: {  	[tilespmem:s19+$0x0] =	vst v14  }
0x35: {  	v16 =	vld.idx.msk [tilespmem:v15+s10+$0x0], $0xffff  }
0x36: {  	v15 =	vld.idx.msk [tilespmem:v15+s20+$0x0], $0xffff;
	_ =	sdelay $0x4  }
0x37: {  	s18 =	sadd.s32 $0x10, s18;
	v16 =	vadd.f32 v16, v15  }
0x38: {  	s30 =	sadd.s32 $0x10, s19;
	[tilespmem:s18+$0x0] =	vst v15  }
0x39: {  	s31 =	simm.s32 $0x0;
	[tilespmem:s30+$0x0] =	vst v16  }
0x3a: {  	v5 =	vmax.f32 v5, v12;
	v12 =	vmin.f32 v4, v13;
	v17 =	vld [tilespmem:s31+$0x8000]  }
0x3b: {  	v5 =	vmax.f32 v5, v15;
	v15 =	vmin.f32 v11, v12  }
0x3c: {  	v11 =	vmax.f32 v11, v12;
	v12 =	vmin.f32 v9, v15  }
0x3d: {  	v19 =	vimm.f32 $0.0e+00;
	v4 =	vmax.f32 v4, v13;
	v13 =	vmin.f32 v6, v12  }
0x3e: {  	v6 =	vmax.f32 v6, v12;
	v12 =	vmax.f32 v10, v13;
	v10 =	vmin.f32 v10, v13  }
0x3f: {  	v13 =	vmax.f32 v8, v10;
	v8 =	vmin.f32 v8, v10;
	v17 =	vsub.f32 v17, v5  }
0x40: {  	v18 =	vimm.f32 $0.0e+00;
	v9 =	vmax.f32 v9, v15;
	v7 =	vmax.f32 v7, v8  }
0x41: {  	v8 =	vmax.f32 v3, v14;
	v3 =	vmin.f32 v3, v14;
	v15 =	vmul.f32 $1.442695020e+00, v17  }
0x42: {  	v14 =	vimm.f32 $0.0e+00;
	v10 =	vmax.f32 v4, v3;
	v3 =	vmin.f32 v4, v3  }
0x43: {  	v4 =	vmin.f32 v8, v16;
	v16 =	vimm.f32 $0.0e+00;
	(erf) = vpow2.f32 v15  }
0x44: {  	v8 =	vmax.f32 v11, v3;
	v3 =	vmin.f32 v11, v3;
	v4 =	vmin.f32 v10, v4  }
0x45: {  	v11 =	vimm.f32 $0.0e+00;
	v10 =	vmax.f32 v9, v3;
	v3 =	vmin.f32 v9, v3  }
0x46: {  	v4 =	vmin.f32 v8, v4;
	v9 =	vimm.f32 $0.0e+00;
	v8 =	vmax.f32 v6, v3  }
0x47: {  	v3 =	vmin.f32 v6, v3;
	v4 =	vmin.f32 v10, v4;
	v10 =	vimm.f32 $0.0e+00  }
0x48: {  	v6 =	vmax.f32 v12, v3;
	v3 =	vmin.f32 v12, v3;
	v4 =	vmin.f32 v8, v4  }
0x49: {  	p0 =	por $0x1, $0x1;
	v12 =	vimm.f32 $0.0e+00;
	v17 =	vimm.f32 $0.0e+00;
	v8 =	vmax.f32 v13, v3  }
.Ltmp1:
0x4a: {  	v3 =	vmin.f32 v13, v3;
	v4 =	vmin.f32 v6, v4;
	v6 =	vimm.f32 $0.0e+00;
	(pc) =	sbr.rel @!p0 .LBB2_7-.Ltmp1, $4  }
0x4b: {  	v13 =	vimm.f32 $0.0e+00;
	v3 =	vmax.f32 v7, v3;
	v4 =	vmin.f32 v8, v4  }
0x4c: {  	v8 =	vimm.f32 $0.0e+00;
	v3 =	vmax.f32 v3, v4;
	v4 =	vimm.f32 $0.0e+00;
	v21 =	vpop (erf)  }
0x4d: {  	s18 =	simm.s32 $0x8C30;
	v15 =	vimm.f32 $0.0e+00;
	v20 =	vmul.f32 v21, v4;
	v23 =	vmul.f32 v21, v4;
	[tilespmem:s31+$0x8800] =	vst v21  }
0x4e: {  	s19 =	simm.s32 $0x40;
	s20 =	simm.s32 $0x8C30;
	v7 =	vadd.f32 v21, v4;
	v22 =	vmul.f32 v21, v4;
	v24 =	vmul.f32 v21, v4;
	[tilespmem:s18+$0xFFFFFFE0] =	vst v4  }
.LBB2_6:
0x4f: {  	p0 =	sne.s32 s19, $0xFC0;
	[tilespmem:s18+$0xFFFFFFD0] =	vst v10  }
0x50: {  	v6 =	vadd.f32 v20, v6;
	v20 =	vmul.f32 v21, v8;
	v9 =	vadd.f32 v23, v9;
	s20 =	sadd.s32 $0x70, s20;
	v10 =	vmovc v7;
	s21 =	smov.u32 s19;
	s19 =	sadd.s32 $0x40, s19  }
0x51: {  	[tilespmem:s18+$0x0] =	vst v12;
	v8 =	vadd.f32 v22, v8;
	v11 =	vadd.f32 v24, v11;
	v22 =	vmul.f32 v21, v14  }
0x52: {  	[tilespmem:s18+$0xFFFFFFF0] =	vst v13;
	v15 =	vadd.f32 v20, v15;
	v20 =	vmul.f32 v21, v12;
	v14 =	vmov v9  }
0x53: {  	[tilespmem:s18+$0x30] =	vst v17;
	v13 =	vadd.f32 v22, v13;
	v12 =	vmov v11  }
0x54: {  	[tilespmem:s18+$0x20] =	vst v16;
	v19 =	vadd.f32 v20, v19;
	v16 =	vmov v8;
	v17 =	vmov v15  }
0x55: {  	s21 =	sshra.s32 s21, $0x2;
	[tilespmem:s18+$0x10] =	vst v18;
	s18 =	smov.u32 s20  }
0x56: {  	v20 =	vld [tilespmem:s21+$0x8000];
	v18 =	vmov v19;
	_ =	sdelay $0x4  }
0x57: {  	v20 =	vsub.f32 v20, v5;
	_ =	sdelay $0x1  }
0x58: {  	v20 =	vmul.f32 $1.442695020e+00, v20;
	_ =	sdelay $0x1  }
0x59: {  	(erf) = vpow2.f32 v20;
	_ =	sdelay $0x6  }
.Ltmp2:
0x5a: {  	(pc) =	sbr.rel @p0 .LBB2_6-.Ltmp2, $4  }
0x5b: {  	_ = 	snop  }
0x5c: {  	v21 =	vpop (erf)  }
0x5d: {  	[tilespmem:s21+$0x8800] =	vst v21;
	v20 =	vmul.f32 v21, v15;
	v23 =	vmul.f32 v21, v10;
	v7 =	vadd.f32 v21, v7  }
0x5e: {  	v22 =	vmul.f32 v21, v19;
	v24 =	vmul.f32 v21, v13;
	[tilespmem:s20+$0xFFFFFFE0] =	vst v9  }
.LBB2_7:
0x5f: {  	[tilespmem:s18+$0xFFFFFFD0] =	vst v10  }
0x60: {  	[tilespmem:s18+$0x0] =	vst v12  }
0x61: {  	[tilespmem:s18+$0xFFFFFFF0] =	vst v13  }
0x62: {  	[tilespmem:s18+$0x30] =	vst v17  }
0x63: {  	[tilespmem:s18+$0x20] =	vst v16  }
0x64: {  	[tilespmem:s18+$0x10] =	vst v18;
	s18 =	simm.s32 $0xA7F0  }
0x65: {  	v5 =	vld [tilespmem:s18+$0xFFFFFFA0];
	_ =	sdelay $0x1  }
0x66: {  	v7 =	vld [tilespmem:s18+$0xFFFFFFB0];
	_ =	sdelay $0x1  }
0x67: {  	v8 =	vld [tilespmem:s18+$0xFFFFFFC0]  }
0x68: {  	v5 =	vmul.f32 v5, v4  }
0x69: {  	v9 =	vld [tilespmem:s18+$0xFFFFFFD0]  }
0x6a: {  	v7 =	vmul.f32 v7, v4;
	v5 =	vadd.f32 v5, v4  }
0x6b: {  	v10 =	vld [tilespmem:s18+$0xFFFFFFE0]  }
0x6c: {  	v5 =	vadd.f32 v7, v5;
	v7 =	vmul.f32 v8, v4  }
0x6d: {  	v8 =	vld [tilespmem:s18+$0xFFFFFFF0]  }
0x6e: {  	v6 =	vadd.f32 v20, v6;
	v5 =	vadd.f32 v7, v5;
	v7 =	vmul.f32 v9, v4;
	_ =	sdelay $0x1  }
0x6f: {  	(erf) = vrcp.f32 v6;
	v6 =	vmul.f32 v10, v4;
	v5 =	vadd.f32 v7, v5  }
0x70: {  	v7 =	vld [tilespmem:s18+$0x0]  }
0x71: {  	v5 =	vadd.f32 v6, v5;
	v6 =	vmul.f32 v8, v4  }
0x72: {  	s19 =	simm.s32 $0x8BF0  }
0x73: {  	v8 =	vld [tilespmem:s19+$0x0];
	v5 =	vadd.f32 v6, v5;
	_ =	sdelay $0x1  }
0x74: {  	v5 =	vadd.f32 v5, v7  }
0x75: {  	s20 =	simm.s32 $0x3F  }
0x76: {  	v12 =	vor.u32 s20, v2  }
0x77: {  	v6 =	vmul.f32 v5, v8  }
0x78: {  	v5 =	vpop (erf)  }
0x79: {  	v6 =	vmul.f32 v6, v5;
	_ =	sdelay $0x1  }
0x7a: {  	s20 =	simm.s32 $0x87F0;
	[tilespmem:v12+s11+$0x0] =	vst.idx.msk $0xffff, v6  }
0x7b: {  	v11 =	vld [tilespmem:s20+$0x0]  }
0x7c: {  	v13 =	vmul.f32 v8, v4  }
0x7d: {  	v9 =	vmul.f32 v8, v4  }
0x7e: {  	v7 =	vadd.f32 v13, v4  }
0x7f: {  	v9 =	vadd.f32 v9, v4;
	v10 =	vadd.f32 v13, v4  }
0x80: {  	v6 =	vadd.f32 v8, v4;
	v8 =	vadd.f32 v13, v4;
	vm0 =	vge.f32 v11, v3  }
0x81: {  	s21 =	simm.s32 $0x3E;
	v11 =	vadd.f32 v13, v4;
	v4 =	vadd.f32 v13, v4;
	v13 =	vsel vm0, $0x3F800000, v1  }
.LBB2_8:
0x82: {  	[tilespmem:v12+s12+$0x0] =	vst.idx.msk $0xffff, v13;
	s20 =	sadd.s32 $0xFFFFFFF0, s20;
	s19 =	sadd.s32 $0xFFFFFFF0, s19;
	s18 =	sadd.s32 $0xFFFFFF90, s18;
	v13 =	vmov v6  }
0x83: {  	p0 =	sne.s32 s21, $0x0;
	s22 =	smov.u32 s21;
	s21 =	sadd.s32 $0xFFFFFFFF, s21;
	v12 =	vld [tilespmem:s18+$0xFFFFFFA0]  }
0x84: {  	_ = 	snop  }
0x85: {  	v14 =	vld [tilespmem:s18+$0xFFFFFFB0];
	_ =	sdelay $0x1  }
0x86: {  	v15 =	vld [tilespmem:s18+$0xFFFFFFC0]  }
0x87: {  	v12 =	vmul.f32 v12, v7  }
0x88: {  	v16 =	vld [tilespmem:s18+$0xFFFFFFD0]  }
0x89: {  	v12 =	vadd.f32 v12, v8;
	v14 =	vmul.f32 v14, v4  }
0x8a: {  	v17 =	vld [tilespmem:s18+$0xFFFFFFE0]  }
0x8b: {  	v12 =	vadd.f32 v14, v12;
	v14 =	vmul.f32 v15, v11  }
0x8c: {  	v15 =	vld [tilespmem:s18+$0xFFFFFFF0]  }
0x8d: {  	v12 =	vadd.f32 v14, v12;
	v14 =	vmul.f32 v16, v10;
	_ =	sdelay $0x1  }
0x8e: {  	v12 =	vadd.f32 v14, v12;
	v14 =	vmul.f32 v17, v9  }
0x8f: {  	v16 =	vld [tilespmem:s18+$0x0]  }
0x90: {  	v12 =	vadd.f32 v14, v12;
	v14 =	vmul.f32 v15, v6  }
0x91: {  	v15 =	vld [tilespmem:s19+$0x0]  }
0x92: {  	v12 =	vadd.f32 v14, v12;
	_ =	sdelay $0x1  }
0x93: {  	v14 =	vadd.f32 v12, v16  }
0x94: {  	v12 =	vor.u32 s22, v2  }
0x95: {  	v14 =	vmul.f32 v14, v15;
	v6 =	vadd.f32 v15, v6;
	v16 =	vmul.f32 v15, v7  }
0x96: {  	v13 =	vmul.f32 v15, v13;
	v17 =	vmul.f32 v15, v4  }
0x97: {  	v18 =	vmul.f32 v15, v9;
	v14 =	vmul.f32 v14, v5  }
0x98: {  	v19 =	vmul.f32 v15, v10;
	v7 =	vadd.f32 v17, v7;
	v8 =	vadd.f32 v16, v8  }
0x99: {  	v9 =	vadd.f32 v13, v9;
	v13 =	vmul.f32 v15, v11;
	[tilespmem:v12+s11+$0x0] =	vst.idx.msk $0xffff, v14  }
0x9a: {  	v10 =	vadd.f32 v18, v10;
	v11 =	vadd.f32 v19, v11;
	v14 =	vld [tilespmem:s20+$0x0]  }
0x9b: {  	v4 =	vadd.f32 v13, v4  }
.Ltmp3:
0x9c: {  	(pc) =	sbr.rel @p0 .LBB2_8-.Ltmp3, $3  }
0x9d: {  	_ =	sdelay $0x1  }
0x9e: {  	vm0 =	vge.f32 v14, v3  }
0x9f: {  	v13 =	vsel vm0, $0x3F800000, v1  }
0xa0: {  	s17 =	sadd.s32 $0x1, s17  }
0xa1: {  	p0 =	sne.s32 s17, $0x8  }
.Ltmp4:
0xa2: {  	_ = 	snop;
	(pc) =	sbr.rel @p0 .LBB2_3-.Ltmp4, $2  }
0xa3: {  	_ =	sdelay $0x2  }
0xa4: {  	[tilespmem:v12+s12+$0x0] =	vst.idx.msk $0xffff, v13  }
0xa5: {  	s16 =	sadd.s32 s5, s15  }
0xa6: {  	[hbm4b:s16+s3] =	stream.linear.scatter [tilespmem:s12], [sflag:$0x1], $0x2000, $0x38;
	[tilespmem:$0xA800] =	vst v63  }
0xa7: {  	s14 =	sadd.s32 $0x1, s14;
	_ =	swait.ge [sflag:s9], $0x2000  }
0xa8: {  	p0 =	sne.s32 s14, $0x4;
	[sflag:s9] =	ssyncset.done $0x0  }
.Ltmp5:
0xa9: {  	s31 =	sadd.s32 s6, s15;
	[sflag:s9] =	ssyncadd.s32 $0xFFFFE000;
	(pc) =	sbr.rel @p0 .LBB2_2-.Ltmp5, $4  }
0xaa: {  	[hbm4b:s31+s3] =	stream.linear.scatter [tilespmem:s11], [sflag:$0x1], $0x2000, $0x38;
	[tilespmem:$0xA800] =	vst v63  }
0xab: {  	_ =	swait.ge [sflag:s9], $0x2000  }
0xac: {  	[sflag:s9] =	ssyncset.done $0x0  }
0xad: {  	[sflag:s9] =	ssyncadd.s32 $0xFFFFE000  }
0xae: {  	s13 =	sadd.s32 $0x1, s13  }
0xaf: {  	p0 =	sne.s32 s13, s8  }
.Ltmp6:
0xb0: {  	_ = 	snop;
	(pc) =	sbr.rel @p0 .LBB2_1-.Ltmp6, $1  }
0xb1: {  	_ =	sdelay $0x3  }
0xb2: {  	_ =	sfence.sel $0x180000  }
0xb3: {  	[bflag:$0x0] =	sbarrier.arrive $0xFFFF  }
0xb4: {  	p0 =	sne.s32 s4, $0x0;
	_ =	strace $0x90000047  }
0xb5: {  	s0 =	sadd.s32 @!p0 $0x100000, s0;
	[bflag:$0x2] =	sbarrier.arrive $0xFFFF  }
0xb6: {  	[sflag:s0] =	ssyncadd.tile.s32 @!p0 $0x1;
	_ =	shalt  }
.Lfunc_end2:
_tile_overlayer_lowered:
.L_overlay_start_2:
0xb7: {  	(tag) =	ssettag $0x2  }
0xb8: {  	s0 =	rddreg [dreg:$0x0];
	s2 =	stileid.u32  }
0xb9: {  	s1 =	rddreg [dreg:$0x1];
	p0 =	sne.s32 s2, $0x0  }
0xba: {  	s3 =	rddreg [dreg:$0x2];
	[bflag:$0x3] =	sbarrier.arrive $0xFFFF;
	s2 =	simm.s32 @!p0 $0x1C01  }
0xbb: {  	[timem:s3], [sflag:s2] =	dma.local @!p0 [hbm:s0], s1  }
0xbc: {  	s0 =	simm.s32 @!p0 $0x1  }
0xbd: {  	_ =	swait.ge @!p0 [sflag:s0], s1  }
0xbe: {  	s1 =	ssub.s32 @!p0 $0x0, s1;
	[sflag:s0] =	ssyncset.done @!p0 $0x0  }
0xbf: {  	[sflag:s0] =	ssyncadd.s32 @!p0 s1  }
0xc0: {  	[bflag:$0x3] =	sbarrier.arrive $0xFFFF  }
0xc1: {  	_ =	shalt  }

</sc_bundles>
